<compile_context>
chip_gen: v7x
topology: tpu7x:2x2x1
jax: 0.10.2.dev20260603
libtpu: 0.0.44.dev20260713+nightly
codegen_flags: <defaults>
</compile_context>

<pallas_src>
import functools

import jax
import jax.numpy as jnp
from jax import lax
from jax.experimental import pallas as pl
from jax.experimental.pallas import tpu as pltpu
from jax.experimental.pallas import tpu_sc as plsc

_C = 768
_J = 224 * 224
_NC, _NS = 2, 16
_NW = _NC * _NS
_JPW = _J // _NW
_B = 32
_NCHUNK = _JPW // _B
_G = _C // 16


def _sc_body(x_hbm, idx_hbm, out_hbm, idx_v, inbuf, outbuf, gsem, ssem):
    wid = lax.axis_index("s") * _NC + lax.axis_index("c")
    base = wid * (_JPW * 2)
    pltpu.sync_copy(idx_hbm, idx_v)

    def in_copy(k, b):
        return pltpu.make_async_copy(
            x_hbm.at[pl.ds(base + k * _B, _B)], inbuf.at[b], gsem.at[b]
        )

    def out_copy(k, b):
        return pltpu.make_async_copy(
            inbuf.at[b], out_hbm.at[pl.ds(base + k * _B, _B)], ssem.at[b]
        )

    cvecs = [idx_v[pl.ds(g * 16, 16)] for g in range(_G)]

    def make_row_body(b):
        def row_body(j, c2):
            jvec = jnp.full((16,), j, dtype=jnp.int32)

            def loads(g0):
                return [
                    plsc.load_gather(inbuf.at[b], [jvec, cvecs[g]])
                    for g in range(g0, g0 + 8)
                ]

            def stores(g0, vs):
                for g, v in zip(range(g0, g0 + 8), vs):
                    outbuf[b, j, pl.ds(g * 16, 16)] = v

            prev = loads(0)
            for g0 in range(8, _G, 8):
                cur = loads(g0)
                stores(g0 - 8, prev)
                prev = cur
            stores(_G - 8, prev)
            return c2

        return row_body

    row_bodies = [make_row_body(0), make_row_body(1)]

    NCH = _NCHUNK * 2

    @pl.when(wid < 16)
    def _():
        in_copy(0, 0).start()

        def pair_body(p, carry):
            for sub in range(2):
                k = 2 * p + sub

                @pl.when(k < NCH)
                def _():
                    in_copy(k, sub).wait()

                    @pl.when(k + 1 < NCH)
                    def _():
                        in_copy(k + 1, 1 - sub).start()

                    @pl.when(k >= 2)
                    def _():
                        out_copy(k - 2, sub).wait()

                    out_copy(k, sub).start()

            return carry

        lax.fori_loop(0, (NCH + 1) // 2, pair_body, 0)
        out_copy(NCH - 2, (NCH - 2) % 2).wait()
        out_copy(NCH - 1, (NCH - 1) % 2).wait()


@jax.jit
def _sc_permute(x2, idx):
    mesh = plsc.VectorSubcoreMesh(
        core_axis_name="c", subcore_axis_name="s", num_cores=_NC, num_subcores=_NS
    )
    return pl.kernel(
        _sc_body,
        out_type=jax.ShapeDtypeStruct((_J, _C), jnp.float32),
        mesh=mesh,
        compiler_params=pltpu.CompilerParams(needs_layout_passes=False),
        scratch_types=[
            pltpu.VMEM((_C,), jnp.int32),
            pltpu.VMEM((2, _B, _C), jnp.float32),
            pltpu.VMEM((2, _B, _C), jnp.float32),
            pltpu.SemaphoreType.DMA((2,)),
            pltpu.SemaphoreType.DMA((2,)),
        ],
    )(x2, idx)


def kernel(inp):
    C, H, W = inp.shape
    perm = jax.random.permutation(jax.random.key(42), C).astype(jnp.int32)
    x2 = jnp.transpose(inp, (1, 2, 0)).reshape(H * W, C)
    y2 = _sc_permute(x2, perm)
    return jnp.transpose(y2.reshape(H, W, C), (2, 0, 1))

# --- scband reference (transcript-rebuilt; emitter-appended) ---
"""Pipeline reference for scband-permute-channels-75033078661771 (READ-ONLY COPY).

The authoritative reference and input builder live on the scoring server;
editing this copy changes nothing except your own understanding.
"""

import jax, jax.numpy as jnp
import numpy as np


def setup_inputs(seed: int = 0) -> dict:
    key = jax.random.key(seed)
    inp = jax.random.normal(jax.random.fold_in(key, 1), (768, 224, 224), dtype=jnp.float32)
    return {"inp": inp}


def reference(inp):
    # probability = 1.0, so `probability > torch.rand(1)` is always True -> always permute.
    # torch.randperm(inp.shape[0]) -> random permutation of channel indices; we use a
    # fixed jax PRNG key for determinism of the reference.
    perm_key = jax.random.key(42)
    perm = jax.random.permutation(perm_key, inp.shape[0])
    # inp[permute, :] -> gather rows along dim 0
    out = jnp.take(inp, perm, axis=0)
    return out

if __name__ == "__main__":
    import jax
    _d = setup_inputs()
    print(jax.jit(kernel)(*tuple(_d.values())))

</pallas_src>

<mosaic_0001>
#map = affine_map<(d0, d1) -> (0, 0)>
#map1 = affine_map<(d0, d1) -> (0)>
module attributes {stable_mosaic.version = 14 : i64} {
  func.func @_sc_body(%arg0: i32, %arg1: i32, %arg2: memref<50176x768xf32, #tpu.memory_space<hbm>>, %arg3: memref<768xi32, #tpu.memory_space<hbm>>, %arg4: memref<50176x768xf32, #tpu.memory_space<hbm>>, %arg5: memref<768xi32, #tpu.memory_space<vmem>>, %arg6: memref<2x32x768xf32, #tpu.memory_space<vmem>>, %arg7: memref<2x32x768xf32, #tpu.memory_space<vmem>>, %arg8: memref<2x!tpu.dma_semaphore, #tpu.memory_space<semaphore_mem>>, %arg9: memref<2x!tpu.dma_semaphore, #tpu.memory_space<semaphore_mem>>) attributes {dimension_semantics = [#tpu.dimension_semantics<core_parallel>, #tpu.dimension_semantics<subcore_parallel>], iteration_bounds = array<i64: 2, 16>, scalar_prefetch = 0 : i64, scratch_operands = 5 : i64, tpu.core_type = #tpu.core_type<sc_vector_subcore>, window_params = [{transform_indices = #map}, {transform_indices = #map1}, {transform_indices = #map}]} {
    %mul3A = arith.constant 2 : i32
    %mul3A_0 = arith.muli %arg1, %mul3A : i32
    %add3A = arith.addi %mul3A_0, %arg0 : i32
    %mul3A_1 = arith.constant 3136 : i32
    %mul3A_2 = arith.muli %add3A, %mul3A_1 : i32
    "tpu.region"() ({
      %run_scoped3A = tpu.sem_alloc : memref<!tpu.dma_semaphore, #tpu.memory_space<semaphore_mem>>
      tpu.enqueue_dma source(%arg3 : memref<768xi32, #tpu.memory_space<hbm>>) target(%arg5 : memref<768xi32, #tpu.memory_space<vmem>>) target_semaphore(%run_scoped3A : memref<!tpu.dma_semaphore, #tpu.memory_space<semaphore_mem>>)
      tpu.wait_dma2 semaphore(%run_scoped3A : memref<!tpu.dma_semaphore, #tpu.memory_space<semaphore_mem>>) src(%arg3 : memref<768xi32, #tpu.memory_space<hbm>>) dst(%arg5 : memref<768xi32, #tpu.memory_space<vmem>>)
      tpu.yield
    }) : () -> ()
    %get3A = arith.constant 0 : index
    %get3A_3 = tpu.vector_load %arg5[%get3A] {strides = array<i32>} : memref<768xi32, #tpu.memory_space<vmem>>, vector<16xi32>,
    %get3A_4 = arith.constant 16 : index
    %get3A_5 = tpu.vector_load %arg5[%get3A_4] {strides = array<i32>} : memref<768xi32, #tpu.memory_space<vmem>>, vector<16xi32>,
    %get3A_6 = arith.constant 32 : index
    %get3A_7 = tpu.vector_load %arg5[%get3A_6] {strides = array<i32>} : memref<768xi32, #tpu.memory_space<vmem>>, vector<16xi32>,
    %get3A_8 = arith.constant 48 : index
    %get3A_9 = tpu.vector_load %arg5[%get3A_8] {strides = array<i32>} : memref<768xi32, #tpu.memory_space<vmem>>, vector<16xi32>,
    %get3A_10 = arith.constant 64 : index
    %get3A_11 = tpu.vector_load %arg5[%get3A_10] {strides = array<i32>} : memref<768xi32, #tpu.memory_space<vmem>>, vector<16xi32>,
    %get3A_12 = arith.constant 80 : index
    %get3A_13 = tpu.vector_load %arg5[%get3A_12] {strides = array<i32>} : memref<768xi32, #tpu.memory_space<vmem>>, vector<16xi32>,
    %get3A_14 = arith.constant 96 : index
    %get3A_15 = tpu.vector_load %arg5[%get3A_14] {strides = array<i32>} : memref<768xi32, #tpu.memory_space<vmem>>, vector<16xi32>,
    %get3A_16 = arith.constant 112 : index
    %get3A_17 = tpu.vector_load %arg5[%get3A_16] {strides = array<i32>} : memref<768xi32, #tpu.memory_space<vmem>>, vector<16xi32>,
    %get3A_18 = arith.constant 128 : index
    %get3A_19 = tpu.vector_load %arg5[%get3A_18] {strides = array<i32>} : memref<768xi32, #tpu.memory_space<vmem>>, vector<16xi32>,
    %get3A_20 = arith.constant 144 : index
    %get3A_21 = tpu.vector_load %arg5[%get3A_20] {strides = array<i32>} : memref<768xi32, #tpu.memory_space<vmem>>, vector<16xi32>,
    %get3A_22 = arith.constant 160 : index
    %get3A_23 = tpu.vector_load %arg5[%get3A_22] {strides = array<i32>} : memref<768xi32, #tpu.memory_space<vmem>>, vector<16xi32>,
    %get3A_24 = arith.constant 176 : index
    %get3A_25 = tpu.vector_load %arg5[%get3A_24] {strides = array<i32>} : memref<768xi32, #tpu.memory_space<vmem>>, vector<16xi32>,
    %get3A_26 = arith.constant 192 : index
    %get3A_27 = tpu.vector_load %arg5[%get3A_26] {strides = array<i32>} : memref<768xi32, #tpu.memory_space<vmem>>, vector<16xi32>,
    %get3A_28 = arith.constant 208 : index
    %get3A_29 = tpu.vector_load %arg5[%get3A_28] {strides = array<i32>} : memref<768xi32, #tpu.memory_space<vmem>>, vector<16xi32>,
    %get3A_30 = arith.constant 224 : index
    %get3A_31 = tpu.vector_load %arg5[%get3A_30] {strides = array<i32>} : memref<768xi32, #tpu.memory_space<vmem>>, vector<16xi32>,
    %get3A_32 = arith.constant 240 : index
    %get3A_33 = tpu.vector_load %arg5[%get3A_32] {strides = array<i32>} : memref<768xi32, #tpu.memory_space<vmem>>, vector<16xi32>,
    %get3A_34 = arith.constant 256 : index
    %get3A_35 = tpu.vector_load %arg5[%get3A_34] {strides = array<i32>} : memref<768xi32, #tpu.memory_space<vmem>>, vector<16xi32>,
    %get3A_36 = arith.constant 272 : index
    %get3A_37 = tpu.vector_load %arg5[%get3A_36] {strides = array<i32>} : memref<768xi32, #tpu.memory_space<vmem>>, vector<16xi32>,
    %get3A_38 = arith.constant 288 : index
    %get3A_39 = tpu.vector_load %arg5[%get3A_38] {strides = array<i32>} : memref<768xi32, #tpu.memory_space<vmem>>, vector<16xi32>,
    %get3A_40 = arith.constant 304 : index
    %get3A_41 = tpu.vector_load %arg5[%get3A_40] {strides = array<i32>} : memref<768xi32, #tpu.memory_space<vmem>>, vector<16xi32>,
    %get3A_42 = arith.constant 320 : index
    %get3A_43 = tpu.vector_load %arg5[%get3A_42] {strides = array<i32>} : memref<768xi32, #tpu.memory_space<vmem>>, vector<16xi32>,
    %get3A_44 = arith.constant 336 : index
    %get3A_45 = tpu.vector_load %arg5[%get3A_44] {strides = array<i32>} : memref<768xi32, #tpu.memory_space<vmem>>, vector<16xi32>,
    %get3A_46 = arith.constant 352 : index
    %get3A_47 = tpu.vector_load %arg5[%get3A_46] {strides = array<i32>} : memref<768xi32, #tpu.memory_space<vmem>>, vector<16xi32>,
    %get3A_48 = arith.constant 368 : index
    %get3A_49 = tpu.vector_load %arg5[%get3A_48] {strides = array<i32>} : memref<768xi32, #tpu.memory_space<vmem>>, vector<16xi32>,
    %get3A_50 = arith.constant 384 : index
    %get3A_51 = tpu.vector_load %arg5[%get3A_50] {strides = array<i32>} : memref<768xi32, #tpu.memory_space<vmem>>, vector<16xi32>,
    %get3A_52 = arith.constant 400 : index
    %get3A_53 = tpu.vector_load %arg5[%get3A_52] {strides = array<i32>} : memref<768xi32, #tpu.memory_space<vmem>>, vector<16xi32>,
    %get3A_54 = arith.constant 416 : index
    %get3A_55 = tpu.vector_load %arg5[%get3A_54] {strides = array<i32>} : memref<768xi32, #tpu.memory_space<vmem>>, vector<16xi32>,
    %get3A_56 = arith.constant 432 : index
    %get3A_57 = tpu.vector_load %arg5[%get3A_56] {strides = array<i32>} : memref<768xi32, #tpu.memory_space<vmem>>, vector<16xi32>,
    %get3A_58 = arith.constant 448 : index
    %get3A_59 = tpu.vector_load %arg5[%get3A_58] {strides = array<i32>} : memref<768xi32, #tpu.memory_space<vmem>>, vector<16xi32>,
    %get3A_60 = arith.constant 464 : index
    %get3A_61 = tpu.vector_load %arg5[%get3A_60] {strides = array<i32>} : memref<768xi32, #tpu.memory_space<vmem>>, vector<16xi32>,
    %get3A_62 = arith.constant 480 : index
    %get3A_63 = tpu.vector_load %arg5[%get3A_62] {strides = array<i32>} : memref<768xi32, #tpu.memory_space<vmem>>, vector<16xi32>,
    %get3A_64 = arith.constant 496 : index
    %get3A_65 = tpu.vector_load %arg5[%get3A_64] {strides = array<i32>} : memref<768xi32, #tpu.memory_space<vmem>>, vector<16xi32>,
    %get3A_66 = arith.constant 512 : index
    %get3A_67 = tpu.vector_load %arg5[%get3A_66] {strides = array<i32>} : memref<768xi32, #tpu.memory_space<vmem>>, vector<16xi32>,
    %get3A_68 = arith.constant 528 : index
    %get3A_69 = tpu.vector_load %arg5[%get3A_68] {strides = array<i32>} : memref<768xi32, #tpu.memory_space<vmem>>, vector<16xi32>,
    %get3A_70 = arith.constant 544 : index
    %get3A_71 = tpu.vector_load %arg5[%get3A_70] {strides = array<i32>} : memref<768xi32, #tpu.memory_space<vmem>>, vector<16xi32>,
    %get3A_72 = arith.constant 560 : index
    %get3A_73 = tpu.vector_load %arg5[%get3A_72] {strides = array<i32>} : memref<768xi32, #tpu.memory_space<vmem>>, vector<16xi32>,
    %get3A_74 = arith.constant 576 : index
    %get3A_75 = tpu.vector_load %arg5[%get3A_74] {strides = array<i32>} : memref<768xi32, #tpu.memory_space<vmem>>, vector<16xi32>,
    %get3A_76 = arith.constant 592 : index
    %get3A_77 = tpu.vector_load %arg5[%get3A_76] {strides = array<i32>} : memref<768xi32, #tpu.memory_space<vmem>>, vector<16xi32>,
    %get3A_78 = arith.constant 608 : index
    %get3A_79 = tpu.vector_load %arg5[%get3A_78] {strides = array<i32>} : memref<768xi32, #tpu.memory_space<vmem>>, vector<16xi32>,
    %get3A_80 = arith.constant 624 : index
    %get3A_81 = tpu.vector_load %arg5[%get3A_80] {strides = array<i32>} : memref<768xi32, #tpu.memory_space<vmem>>, vector<16xi32>,
    %get3A_82 = arith.constant 640 : index
    %get3A_83 = tpu.vector_load %arg5[%get3A_82] {strides = array<i32>} : memref<768xi32, #tpu.memory_space<vmem>>, vector<16xi32>,
    %get3A_84 = arith.constant 656 : index
    %get3A_85 = tpu.vector_load %arg5[%get3A_84] {strides = array<i32>} : memref<768xi32, #tpu.memory_space<vmem>>, vector<16xi32>,
    %get3A_86 = arith.constant 672 : index
    %get3A_87 = tpu.vector_load %arg5[%get3A_86] {strides = array<i32>} : memref<768xi32, #tpu.memory_space<vmem>>, vector<16xi32>,
    %get3A_88 = arith.constant 688 : index
    %get3A_89 = tpu.vector_load %arg5[%get3A_88] {strides = array<i32>} : memref<768xi32, #tpu.memory_space<vmem>>, vector<16xi32>,
    %get3A_90 = arith.constant 704 : index
    %get3A_91 = tpu.vector_load %arg5[%get3A_90] {strides = array<i32>} : memref<768xi32, #tpu.memory_space<vmem>>, vector<16xi32>,
    %get3A_92 = arith.constant 720 : index
    %get3A_93 = tpu.vector_load %arg5[%get3A_92] {strides = array<i32>} : memref<768xi32, #tpu.memory_space<vmem>>, vector<16xi32>,
    %get3A_94 = arith.constant 736 : index
    %get3A_95 = tpu.vector_load %arg5[%get3A_94] {strides = array<i32>} : memref<768xi32, #tpu.memory_space<vmem>>, vector<16xi32>,
    %get3A_96 = arith.constant 752 : index
    %get3A_97 = tpu.vector_load %arg5[%get3A_96] {strides = array<i32>} : memref<768xi32, #tpu.memory_space<vmem>>, vector<16xi32>,
    %lt3A = arith.constant 16 : i32
    %lt3A_98 = arith.cmpi slt, %add3A, %lt3A : i32
    %convert_element_type3A = arith.extui %lt3A_98 : i1 to i32
    %cond3A = arith.constant 0 : i32
    %cond3A_99 = arith.cmpi ne, %convert_element_type3A, %cond3A : i32
    scf.if %cond3A_99 {
      %add3A_100 = arith.constant 0 : i32
      %add3A_101 = arith.addi %mul3A_2, %add3A_100 : i32
      %dma_start3A = arith.constant 0 : i32
      %dma_start3A_102 = arith.constant 0 : i32
      %dma_start3A_103 = arith.constant 0 : i32
      %dma_start3A_104 = arith.constant 0 : i32
      %dma_start3A_105 = tpu.memref_slice %arg6[%dma_start3A, %dma_start3A_103, %dma_start3A_104] : memref<2x32x768xf32, #tpu.memory_space<vmem>> -> memref<1x32x768xf32, #tpu.memory_space<vmem>>
      %dma_start3A_106 = tpu.memref_squeeze %dma_start3A_105 : memref<1x32x768xf32, #tpu.memory_space<vmem>> -> memref<32x768xf32, #tpu.memory_space<vmem>>
      %dma_start3A_107 = arith.constant 0 : i32
      %dma_start3A_108 = tpu.memref_slice %arg2[%add3A_101, %dma_start3A_107] : memref<50176x768xf32, #tpu.memory_space<hbm>> -> memref<32x768xf32, #tpu.memory_space<hbm>>
      %dma_start3A_109 = tpu.memref_slice %arg8[%dma_start3A_102] : memref<2x!tpu.dma_semaphore, #tpu.memory_space<semaphore_mem>> -> memref<1x!tpu.dma_semaphore, #tpu.memory_space<semaphore_mem>>
      %dma_start3A_110 = tpu.memref_squeeze %dma_start3A_109 : memref<1x!tpu.dma_semaphore, #tpu.memory_space<semaphore_mem>> -> memref<!tpu.dma_semaphore, #tpu.memory_space<semaphore_mem>>
      %dma_start3A_111 = arith.constant 0 : i32
      %dma_start3A_112 = arith.constant 0 : i32
      %dma_start3A_113 = tpu.memref_slice %arg6[%dma_start3A, %dma_start3A_111, %dma_start3A_112] : memref<2x32x768xf32, #tpu.memory_space<vmem>> -> memref<1x32x768xf32, #tpu.memory_space<vmem>>
      %dma_start3A_114 = tpu.memref_squeeze %dma_start3A_113 : memref<1x32x768xf32, #tpu.memory_space<vmem>> -> memref<32x768xf32, #tpu.memory_space<vmem>>
      %dma_start3A_115 = arith.constant 0 : i32
      %dma_start3A_116 = tpu.memref_slice %arg2[%add3A_101, %dma_start3A_115] : memref<50176x768xf32, #tpu.memory_space<hbm>> -> memref<32x768xf32, #tpu.memory_space<hbm>>
      tpu.enqueue_dma source(%dma_start3A_116 : memref<32x768xf32, #tpu.memory_space<hbm>>) target(%dma_start3A_114 : memref<32x768xf32, #tpu.memory_space<vmem>>) target_semaphore(%dma_start3A_110 : memref<!tpu.dma_semaphore, #tpu.memory_space<semaphore_mem>>)
      %scan3A = arith.constant 0 : i32
      %scan3A_117 = arith.constant 0 : i32
      %scan3A_118 = arith.constant 49 : i32
      %scan3A_119 = arith.addi %scan3A_117, %scan3A_118 : i32
      %scan3A_120 = arith.constant 1 : i32
      scf.for %scan3A_157 = %scan3A_117 to %scan3A_119 step %scan3A_120  : i32 {
        %mul3A_158 = arith.constant 2 : i32
        %mul3A_159 = arith.muli %mul3A_158, %scan3A_157 : i32
        %add3A_160 = arith.constant 0 : i32
        %add3A_161 = arith.addi %mul3A_159, %add3A_160 : i32
        %lt3A_162 = arith.constant 98 : i32
        %lt3A_163 = arith.cmpi slt, %add3A_161, %lt3A_162 : i32
        %convert_element_type3A_164 = arith.extui %lt3A_163 : i1 to i32
        %cond3A_165 = arith.constant 0 : i32
        %cond3A_166 = arith.cmpi ne, %convert_element_type3A_164, %cond3A_165 : i32
        scf.if %cond3A_166 {
          %mul3A_176 = arith.constant 32 : i32
          %mul3A_177 = arith.muli %add3A_161, %mul3A_176 : i32
          %add3A_178 = arith.addi %mul3A_2, %mul3A_177 : i32
          %dma_wait3A_179 = arith.constant 0 : i32
          %dma_wait3A_180 = arith.constant 0 : i32
          %dma_wait3A_181 = arith.constant 0 : i32
          %dma_wait3A_182 = arith.constant 0 : i32
          %dma_wait3A_183 = tpu.memref_slice %arg6[%dma_wait3A_179, %dma_wait3A_181, %dma_wait3A_182] : memref<2x32x768xf32, #tpu.memory_space<vmem>> -> memref<1x32x768xf32, #tpu.memory_space<vmem>>
          %dma_wait3A_184 = tpu.memref_squeeze %dma_wait3A_183 : memref<1x32x768xf32, #tpu.memory_space<vmem>> -> memref<32x768xf32, #tpu.memory_space<vmem>>
          %dma_wait3A_185 = arith.constant 0 : i32
          %dma_wait3A_186 = tpu.memref_slice %arg2[%add3A_178, %dma_wait3A_185] : memref<50176x768xf32, #tpu.memory_space<hbm>> -> memref<32x768xf32, #tpu.memory_space<hbm>>
          %dma_wait3A_187 = tpu.memref_slice %arg8[%dma_wait3A_180] : memref<2x!tpu.dma_semaphore, #tpu.memory_space<semaphore_mem>> -> memref<1x!tpu.dma_semaphore, #tpu.memory_space<semaphore_mem>>
          %dma_wait3A_188 = tpu.memref_squeeze %dma_wait3A_187 : memref<1x!tpu.dma_semaphore, #tpu.memory_space<semaphore_mem>> -> memref<!tpu.dma_semaphore, #tpu.memory_space<semaphore_mem>>
          %dma_wait3A_189 = arith.constant 0 : i32
          %dma_wait3A_190 = arith.constant 0 : i32
          %dma_wait3A_191 = tpu.memref_slice %arg6[%dma_wait3A_179, %dma_wait3A_189, %dma_wait3A_190] : memref<2x32x768xf32, #tpu.memory_space<vmem>> -> memref<1x32x768xf32, #tpu.memory_space<vmem>>
          %dma_wait3A_192 = tpu.memref_squeeze %dma_wait3A_191 : memref<1x32x768xf32, #tpu.memory_space<vmem>> -> memref<32x768xf32, #tpu.memory_space<vmem>>
          %dma_wait3A_193 = arith.constant 0 : i32
          %dma_wait3A_194 = tpu.memref_slice %arg2[%add3A_178, %dma_wait3A_193] : memref<50176x768xf32, #tpu.memory_space<hbm>> -> memref<32x768xf32, #tpu.memory_space<hbm>>
          tpu.wait_dma2 semaphore(%dma_wait3A_188 : memref<!tpu.dma_semaphore, #tpu.memory_space<semaphore_mem>>) src(%dma_wait3A_194 : memref<32x768xf32, #tpu.memory_space<hbm>>) dst(%dma_wait3A_192 : memref<32x768xf32, #tpu.memory_space<vmem>>)
          %add3A_195 = arith.constant 1 : i32
          %add3A_196 = arith.addi %add3A_161, %add3A_195 : i32
          %lt3A_197 = arith.constant 98 : i32
          %lt3A_198 = arith.cmpi slt, %add3A_196, %lt3A_197 : i32
          %convert_element_type3A_199 = arith.extui %lt3A_198 : i1 to i32
          %cond3A_200 = arith.constant 0 : i32
          %cond3A_201 = arith.cmpi ne, %convert_element_type3A_199, %cond3A_200 : i32
          scf.if %cond3A_201 {
            %add3A_225 = arith.constant 1 : i32
            %add3A_226 = arith.addi %add3A_161, %add3A_225 : i32
            %mul3A_227 = arith.constant 32 : i32
            %mul3A_228 = arith.muli %add3A_226, %mul3A_227 : i32
            %add3A_229 = arith.addi %mul3A_2, %mul3A_228 : i32
            %dma_start3A_230 = arith.constant 1 : i32
            %dma_start3A_231 = arith.constant 1 : i32
            %dma_start3A_232 = arith.constant 0 : i32
            %dma_start3A_233 = arith.constant 0 : i32
            %dma_start3A_234 = tpu.memref_slice %arg6[%dma_start3A_230, %dma_start3A_232, %dma_start3A_233] : memref<2x32x768xf32, #tpu.memory_space<vmem>> -> memref<1x32x768xf32, #tpu.memory_space<vmem>>
            %dma_start3A_235 = tpu.memref_squeeze %dma_start3A_234 : memref<1x32x768xf32, #tpu.memory_space<vmem>> -> memref<32x768xf32, #tpu.memory_space<vmem>>
            %dma_start3A_236 = arith.constant 0 : i32
            %dma_start3A_237 = tpu.memref_slice %arg2[%add3A_229, %dma_start3A_236] : memref<50176x768xf32, #tpu.memory_space<hbm>> -> memref<32x768xf32, #tpu.memory_space<hbm>>
            %dma_start3A_238 = tpu.memref_slice %arg8[%dma_start3A_231] : memref<2x!tpu.dma_semaphore, #tpu.memory_space<semaphore_mem>> -> memref<1x!tpu.dma_semaphore, #tpu.memory_space<semaphore_mem>>
            %dma_start3A_239 = tpu.memref_squeeze %dma_start3A_238 : memref<1x!tpu.dma_semaphore, #tpu.memory_space<semaphore_mem>> -> memref<!tpu.dma_semaphore, #tpu.memory_space<semaphore_mem>>
            %dma_start3A_240 = arith.constant 0 : i32
            %dma_start3A_241 = arith.constant 0 : i32
            %dma_start3A_242 = tpu.memref_slice %arg6[%dma_start3A_230, %dma_start3A_240, %dma_start3A_241] : memref<2x32x768xf32, #tpu.memory_space<vmem>> -> memref<1x32x768xf32, #tpu.memory_space<vmem>>
            %dma_start3A_243 = tpu.memref_squeeze %dma_start3A_242 : memref<1x32x768xf32, #tpu.memory_space<vmem>> -> memref<32x768xf32, #tpu.memory_space<vmem>>
            %dma_start3A_244 = arith.constant 0 : i32
            %dma_start3A_245 = tpu.memref_slice %arg2[%add3A_229, %dma_start3A_244] : memref<50176x768xf32, #tpu.memory_space<hbm>> -> memref<32x768xf32, #tpu.memory_space<hbm>>
            tpu.enqueue_dma source(%dma_start3A_245 : memref<32x768xf32, #tpu.memory_space<hbm>>) target(%dma_start3A_243 : memref<32x768xf32, #tpu.memory_space<vmem>>) target_semaphore(%dma_start3A_239 : memref<!tpu.dma_semaphore, #tpu.memory_space<semaphore_mem>>)
          } else {
          }
          %ge3A = arith.constant 2 : i32
          %ge3A_202 = arith.cmpi sge, %add3A_161, %ge3A : i32
          %convert_element_type3A_203 = arith.extui %ge3A_202 : i1 to i32
          %cond3A_204 = arith.constant 0 : i32
          %cond3A_205 = arith.cmpi ne, %convert_element_type3A_203, %cond3A_204 : i32
          scf.if %cond3A_205 {
            %sub3A = arith.constant 2 : i32
            %sub3A_225 = arith.subi %add3A_161, %sub3A : i32
            %mul3A_226 = arith.constant 32 : i32
            %mul3A_227 = arith.muli %sub3A_225, %mul3A_226 : i32
            %add3A_228 = arith.addi %mul3A_2, %mul3A_227 : i32
            %dma_wait3A_229 = arith.constant 0 : i32
            %dma_wait3A_230 = arith.constant 0 : i32
            %dma_wait3A_231 = arith.constant 0 : i32
            %dma_wait3A_232 = arith.constant 0 : i32
            %dma_wait3A_233 = tpu.memref_slice %arg6[%dma_wait3A_229, %dma_wait3A_231, %dma_wait3A_232] : memref<2x32x768xf32, #tpu.memory_space<vmem>> -> memref<1x32x768xf32, #tpu.memory_space<vmem>>
            %dma_wait3A_234 = tpu.memref_squeeze %dma_wait3A_233 : memref<1x32x768xf32, #tpu.memory_space<vmem>> -> memref<32x768xf32, #tpu.memory_space<vmem>>
            %dma_wait3A_235 = arith.constant 0 : i32
            %dma_wait3A_236 = tpu.memref_slice %arg4[%add3A_228, %dma_wait3A_235] : memref<50176x768xf32, #tpu.memory_space<hbm>> -> memref<32x768xf32, #tpu.memory_space<hbm>>
            %dma_wait3A_237 = tpu.memref_slice %arg9[%dma_wait3A_230] : memref<2x!tpu.dma_semaphore, #tpu.memory_space<semaphore_mem>> -> memref<1x!tpu.dma_semaphore, #tpu.memory_space<semaphore_mem>>
            %dma_wait3A_238 = tpu.memref_squeeze %dma_wait3A_237 : memref<1x!tpu.dma_semaphore, #tpu.memory_space<semaphore_mem>> -> memref<!tpu.dma_semaphore, #tpu.memory_space<semaphore_mem>>
            %dma_wait3A_239 = arith.constant 0 : i32
            %dma_wait3A_240 = tpu.memref_slice %arg4[%add3A_228, %dma_wait3A_239] : memref<50176x768xf32, #tpu.memory_space<hbm>> -> memref<32x768xf32, #tpu.memory_space<hbm>>
            %dma_wait3A_241 = arith.constant 0 : i32
            %dma_wait3A_242 = arith.constant 0 : i32
            %dma_wait3A_243 = tpu.memref_slice %arg6[%dma_wait3A_229, %dma_wait3A_241, %dma_wait3A_242] : memref<2x32x768xf32, #tpu.memory_space<vmem>> -> memref<1x32x768xf32, #tpu.memory_space<vmem>>
            %dma_wait3A_244 = tpu.memref_squeeze %dma_wait3A_243 : memref<1x32x768xf32, #tpu.memory_space<vmem>> -> memref<32x768xf32, #tpu.memory_space<vmem>>
            tpu.wait_dma2 semaphore(%dma_wait3A_238 : memref<!tpu.dma_semaphore, #tpu.memory_space<semaphore_mem>>) src(%dma_wait3A_244 : memref<32x768xf32, #tpu.memory_space<vmem>>) dst(%dma_wait3A_240 : memref<32x768xf32, #tpu.memory_space<hbm>>)
          } else {
          }
          %mul3A_206 = arith.constant 32 : i32
          %mul3A_207 = arith.muli %add3A_161, %mul3A_206 : i32
          %add3A_208 = arith.addi %mul3A_2, %mul3A_207 : i32
          %dma_start3A_209 = arith.constant 0 : i32
          %dma_start3A_210 = arith.constant 0 : i32
          %dma_start3A_211 = arith.constant 0 : i32
          %dma_start3A_212 = arith.constant 0 : i32
          %dma_start3A_213 = tpu.memref_slice %arg6[%dma_start3A_209, %dma_start3A_211, %dma_start3A_212] : memref<2x32x768xf32, #tpu.memory_space<vmem>> -> memref<1x32x768xf32, #tpu.memory_space<vmem>>
          %dma_start3A_214 = tpu.memref_squeeze %dma_start3A_213 : memref<1x32x768xf32, #tpu.memory_space<vmem>> -> memref<32x768xf32, #tpu.memory_space<vmem>>
          %dma_start3A_215 = arith.constant 0 : i32
          %dma_start3A_216 = tpu.memref_slice %arg4[%add3A_208, %dma_start3A_215] : memref<50176x768xf32, #tpu.memory_space<hbm>> -> memref<32x768xf32, #tpu.memory_space<hbm>>
          %dma_start3A_217 = tpu.memref_slice %arg9[%dma_start3A_210] : memref<2x!tpu.dma_semaphore, #tpu.memory_space<semaphore_mem>> -> memref<1x!tpu.dma_semaphore, #tpu.memory_space<semaphore_mem>>
          %dma_start3A_218 = tpu.memref_squeeze %dma_start3A_217 : memref<1x!tpu.dma_semaphore, #tpu.memory_space<semaphore_mem>> -> memref<!tpu.dma_semaphore, #tpu.memory_space<semaphore_mem>>
          %dma_start3A_219 = arith.constant 0 : i32
          %dma_start3A_220 = tpu.memref_slice %arg4[%add3A_208, %dma_start3A_219] : memref<50176x768xf32, #tpu.memory_space<hbm>> -> memref<32x768xf32, #tpu.memory_space<hbm>>
          %dma_start3A_221 = arith.constant 0 : i32
          %dma_start3A_222 = arith.constant 0 : i32
          %dma_start3A_223 = tpu.memref_slice %arg6[%dma_start3A_209, %dma_start3A_221, %dma_start3A_222] : memref<2x32x768xf32, #tpu.memory_space<vmem>> -> memref<1x32x768xf32, #tpu.memory_space<vmem>>
          %dma_start3A_224 = tpu.memref_squeeze %dma_start3A_223 : memref<1x32x768xf32, #tpu.memory_space<vmem>> -> memref<32x768xf32, #tpu.memory_space<vmem>>
          tpu.enqueue_dma source(%dma_start3A_224 : memref<32x768xf32, #tpu.memory_space<vmem>>) target(%dma_start3A_220 : memref<32x768xf32, #tpu.memory_space<hbm>>) target_semaphore(%dma_start3A_218 : memref<!tpu.dma_semaphore, #tpu.memory_space<semaphore_mem>>)
        } else {
        }
        %mul3A_167 = arith.constant 2 : i32
        %mul3A_168 = arith.muli %mul3A_167, %scan3A_157 : i32
        %add3A_169 = arith.constant 1 : i32
        %add3A_170 = arith.addi %mul3A_168, %add3A_169 : i32
        %lt3A_171 = arith.constant 98 : i32
        %lt3A_172 = arith.cmpi slt, %add3A_170, %lt3A_171 : i32
        %convert_element_type3A_173 = arith.extui %lt3A_172 : i1 to i32
        %cond3A_174 = arith.constant 0 : i32
        %cond3A_175 = arith.cmpi ne, %convert_element_type3A_173, %cond3A_174 : i32
        scf.if %cond3A_175 {
          %mul3A_176 = arith.constant 32 : i32
          %mul3A_177 = arith.muli %add3A_170, %mul3A_176 : i32
          %add3A_178 = arith.addi %mul3A_2, %mul3A_177 : i32
          %dma_wait3A_179 = arith.constant 1 : i32
          %dma_wait3A_180 = arith.constant 1 : i32
          %dma_wait3A_181 = arith.constant 0 : i32
          %dma_wait3A_182 = arith.constant 0 : i32
          %dma_wait3A_183 = tpu.memref_slice %arg6[%dma_wait3A_179, %dma_wait3A_181, %dma_wait3A_182] : memref<2x32x768xf32, #tpu.memory_space<vmem>> -> memref<1x32x768xf32, #tpu.memory_space<vmem>>
          %dma_wait3A_184 = tpu.memref_squeeze %dma_wait3A_183 : memref<1x32x768xf32, #tpu.memory_space<vmem>> -> memref<32x768xf32, #tpu.memory_space<vmem>>
          %dma_wait3A_185 = arith.constant 0 : i32
          %dma_wait3A_186 = tpu.memref_slice %arg2[%add3A_178, %dma_wait3A_185] : memref<50176x768xf32, #tpu.memory_space<hbm>> -> memref<32x768xf32, #tpu.memory_space<hbm>>
          %dma_wait3A_187 = tpu.memref_slice %arg8[%dma_wait3A_180] : memref<2x!tpu.dma_semaphore, #tpu.memory_space<semaphore_mem>> -> memref<1x!tpu.dma_semaphore, #tpu.memory_space<semaphore_mem>>
          %dma_wait3A_188 = tpu.memref_squeeze %dma_wait3A_187 : memref<1x!tpu.dma_semaphore, #tpu.memory_space<semaphore_mem>> -> memref<!tpu.dma_semaphore, #tpu.memory_space<semaphore_mem>>
          %dma_wait3A_189 = arith.constant 0 : i32
          %dma_wait3A_190 = arith.constant 0 : i32
          %dma_wait3A_191 = tpu.memref_slice %arg6[%dma_wait3A_179, %dma_wait3A_189, %dma_wait3A_190] : memref<2x32x768xf32, #tpu.memory_space<vmem>> -> memref<1x32x768xf32, #tpu.memory_space<vmem>>
          %dma_wait3A_192 = tpu.memref_squeeze %dma_wait3A_191 : memref<1x32x768xf32, #tpu.memory_space<vmem>> -> memref<32x768xf32, #tpu.memory_space<vmem>>
          %dma_wait3A_193 = arith.constant 0 : i32
          %dma_wait3A_194 = tpu.memref_slice %arg2[%add3A_178, %dma_wait3A_193] : memref<50176x768xf32, #tpu.memory_space<hbm>> -> memref<32x768xf32, #tpu.memory_space<hbm>>
          tpu.wait_dma2 semaphore(%dma_wait3A_188 : memref<!tpu.dma_semaphore, #tpu.memory_space<semaphore_mem>>) src(%dma_wait3A_194 : memref<32x768xf32, #tpu.memory_space<hbm>>) dst(%dma_wait3A_192 : memref<32x768xf32, #tpu.memory_space<vmem>>)
          %add3A_195 = arith.constant 1 : i32
          %add3A_196 = arith.addi %add3A_170, %add3A_195 : i32
          %lt3A_197 = arith.constant 98 : i32
          %lt3A_198 = arith.cmpi slt, %add3A_196, %lt3A_197 : i32
          %convert_element_type3A_199 = arith.extui %lt3A_198 : i1 to i32
          %cond3A_200 = arith.constant 0 : i32
          %cond3A_201 = arith.cmpi ne, %convert_element_type3A_199, %cond3A_200 : i32
          scf.if %cond3A_201 {
            %add3A_225 = arith.constant 1 : i32
            %add3A_226 = arith.addi %add3A_170, %add3A_225 : i32
            %mul3A_227 = arith.constant 32 : i32
            %mul3A_228 = arith.muli %add3A_226, %mul3A_227 : i32
            %add3A_229 = arith.addi %mul3A_2, %mul3A_228 : i32
            %dma_start3A_230 = arith.constant 0 : i32
            %dma_start3A_231 = arith.constant 0 : i32
            %dma_start3A_232 = arith.constant 0 : i32
            %dma_start3A_233 = arith.constant 0 : i32
            %dma_start3A_234 = tpu.memref_slice %arg6[%dma_start3A_230, %dma_start3A_232, %dma_start3A_233] : memref<2x32x768xf32, #tpu.memory_space<vmem>> -> memref<1x32x768xf32, #tpu.memory_space<vmem>>
            %dma_start3A_235 = tpu.memref_squeeze %dma_start3A_234 : memref<1x32x768xf32, #tpu.memory_space<vmem>> -> memref<32x768xf32, #tpu.memory_space<vmem>>
            %dma_start3A_236 = arith.constant 0 : i32
            %dma_start3A_237 = tpu.memref_slice %arg2[%add3A_229, %dma_start3A_236] : memref<50176x768xf32, #tpu.memory_space<hbm>> -> memref<32x768xf32, #tpu.memory_space<hbm>>
            %dma_start3A_238 = tpu.memref_slice %arg8[%dma_start3A_231] : memref<2x!tpu.dma_semaphore, #tpu.memory_space<semaphore_mem>> -> memref<1x!tpu.dma_semaphore, #tpu.memory_space<semaphore_mem>>
            %dma_start3A_239 = tpu.memref_squeeze %dma_start3A_238 : memref<1x!tpu.dma_semaphore, #tpu.memory_space<semaphore_mem>> -> memref<!tpu.dma_semaphore, #tpu.memory_space<semaphore_mem>>
            %dma_start3A_240 = arith.constant 0 : i32
            %dma_start3A_241 = arith.constant 0 : i32
            %dma_start3A_242 = tpu.memref_slice %arg6[%dma_start3A_230, %dma_start3A_240, %dma_start3A_241] : memref<2x32x768xf32, #tpu.memory_space<vmem>> -> memref<1x32x768xf32, #tpu.memory_space<vmem>>
            %dma_start3A_243 = tpu.memref_squeeze %dma_start3A_242 : memref<1x32x768xf32, #tpu.memory_space<vmem>> -> memref<32x768xf32, #tpu.memory_space<vmem>>
            %dma_start3A_244 = arith.constant 0 : i32
            %dma_start3A_245 = tpu.memref_slice %arg2[%add3A_229, %dma_start3A_244] : memref<50176x768xf32, #tpu.memory_space<hbm>> -> memref<32x768xf32, #tpu.memory_space<hbm>>
            tpu.enqueue_dma source(%dma_start3A_245 : memref<32x768xf32, #tpu.memory_space<hbm>>) target(%dma_start3A_243 : memref<32x768xf32, #tpu.memory_space<vmem>>) target_semaphore(%dma_start3A_239 : memref<!tpu.dma_semaphore, #tpu.memory_space<semaphore_mem>>)
          } else {
          }
          %ge3A = arith.constant 2 : i32
          %ge3A_202 = arith.cmpi sge, %add3A_170, %ge3A : i32
          %convert_element_type3A_203 = arith.extui %ge3A_202 : i1 to i32
          %cond3A_204 = arith.constant 0 : i32
          %cond3A_205 = arith.cmpi ne, %convert_element_type3A_203, %cond3A_204 : i32
          scf.if %cond3A_205 {
            %sub3A = arith.constant 2 : i32
            %sub3A_225 = arith.subi %add3A_170, %sub3A : i32
            %mul3A_226 = arith.constant 32 : i32
            %mul3A_227 = arith.muli %sub3A_225, %mul3A_226 : i32
            %add3A_228 = arith.addi %mul3A_2, %mul3A_227 : i32
            %dma_wait3A_229 = arith.constant 1 : i32
            %dma_wait3A_230 = arith.constant 1 : i32
            %dma_wait3A_231 = arith.constant 0 : i32
            %dma_wait3A_232 = arith.constant 0 : i32
            %dma_wait3A_233 = tpu.memref_slice %arg6[%dma_wait3A_229, %dma_wait3A_231, %dma_wait3A_232] : memref<2x32x768xf32, #tpu.memory_space<vmem>> -> memref<1x32x768xf32, #tpu.memory_space<vmem>>
            %dma_wait3A_234 = tpu.memref_squeeze %dma_wait3A_233 : memref<1x32x768xf32, #tpu.memory_space<vmem>> -> memref<32x768xf32, #tpu.memory_space<vmem>>
            %dma_wait3A_235 = arith.constant 0 : i32
            %dma_wait3A_236 = tpu.memref_slice %arg4[%add3A_228, %dma_wait3A_235] : memref<50176x768xf32, #tpu.memory_space<hbm>> -> memref<32x768xf32, #tpu.memory_space<hbm>>
            %dma_wait3A_237 = tpu.memref_slice %arg9[%dma_wait3A_230] : memref<2x!tpu.dma_semaphore, #tpu.memory_space<semaphore_mem>> -> memref<1x!tpu.dma_semaphore, #tpu.memory_space<semaphore_mem>>
            %dma_wait3A_238 = tpu.memref_squeeze %dma_wait3A_237 : memref<1x!tpu.dma_semaphore, #tpu.memory_space<semaphore_mem>> -> memref<!tpu.dma_semaphore, #tpu.memory_space<semaphore_mem>>
            %dma_wait3A_239 = arith.constant 0 : i32
            %dma_wait3A_240 = tpu.memref_slice %arg4[%add3A_228, %dma_wait3A_239] : memref<50176x768xf32, #tpu.memory_space<hbm>> -> memref<32x768xf32, #tpu.memory_space<hbm>>
            %dma_wait3A_241 = arith.constant 0 : i32
            %dma_wait3A_242 = arith.constant 0 : i32
            %dma_wait3A_243 = tpu.memref_slice %arg6[%dma_wait3A_229, %dma_wait3A_241, %dma_wait3A_242] : memref<2x32x768xf32, #tpu.memory_space<vmem>> -> memref<1x32x768xf32, #tpu.memory_space<vmem>>
            %dma_wait3A_244 = tpu.memref_squeeze %dma_wait3A_243 : memref<1x32x768xf32, #tpu.memory_space<vmem>> -> memref<32x768xf32, #tpu.memory_space<vmem>>
            tpu.wait_dma2 semaphore(%dma_wait3A_238 : memref<!tpu.dma_semaphore, #tpu.memory_space<semaphore_mem>>) src(%dma_wait3A_244 : memref<32x768xf32, #tpu.memory_space<vmem>>) dst(%dma_wait3A_240 : memref<32x768xf32, #tpu.memory_space<hbm>>)
          } else {
          }
          %mul3A_206 = arith.constant 32 : i32
          %mul3A_207 = arith.muli %add3A_170, %mul3A_206 : i32
          %add3A_208 = arith.addi %mul3A_2, %mul3A_207 : i32
          %dma_start3A_209 = arith.constant 1 : i32
          %dma_start3A_210 = arith.constant 1 : i32
          %dma_start3A_211 = arith.constant 0 : i32
          %dma_start3A_212 = arith.constant 0 : i32
          %dma_start3A_213 = tpu.memref_slice %arg6[%dma_start3A_209, %dma_start3A_211, %dma_start3A_212] : memref<2x32x768xf32, #tpu.memory_space<vmem>> -> memref<1x32x768xf32, #tpu.memory_space<vmem>>
          %dma_start3A_214 = tpu.memref_squeeze %dma_start3A_213 : memref<1x32x768xf32, #tpu.memory_space<vmem>> -> memref<32x768xf32, #tpu.memory_space<vmem>>
          %dma_start3A_215 = arith.constant 0 : i32
          %dma_start3A_216 = tpu.memref_slice %arg4[%add3A_208, %dma_start3A_215] : memref<50176x768xf32, #tpu.memory_space<hbm>> -> memref<32x768xf32, #tpu.memory_space<hbm>>
          %dma_start3A_217 = tpu.memref_slice %arg9[%dma_start3A_210] : memref<2x!tpu.dma_semaphore, #tpu.memory_space<semaphore_mem>> -> memref<1x!tpu.dma_semaphore, #tpu.memory_space<semaphore_mem>>
          %dma_start3A_218 = tpu.memref_squeeze %dma_start3A_217 : memref<1x!tpu.dma_semaphore, #tpu.memory_space<semaphore_mem>> -> memref<!tpu.dma_semaphore, #tpu.memory_space<semaphore_mem>>
          %dma_start3A_219 = arith.constant 0 : i32
          %dma_start3A_220 = tpu.memref_slice %arg4[%add3A_208, %dma_start3A_219] : memref<50176x768xf32, #tpu.memory_space<hbm>> -> memref<32x768xf32, #tpu.memory_space<hbm>>
          %dma_start3A_221 = arith.constant 0 : i32
          %dma_start3A_222 = arith.constant 0 : i32
          %dma_start3A_223 = tpu.memref_slice %arg6[%dma_start3A_209, %dma_start3A_221, %dma_start3A_222] : memref<2x32x768xf32, #tpu.memory_space<vmem>> -> memref<1x32x768xf32, #tpu.memory_space<vmem>>
          %dma_start3A_224 = tpu.memref_squeeze %dma_start3A_223 : memref<1x32x768xf32, #tpu.memory_space<vmem>> -> memref<32x768xf32, #tpu.memory_space<vmem>>
          tpu.enqueue_dma source(%dma_start3A_224 : memref<32x768xf32, #tpu.memory_space<vmem>>) target(%dma_start3A_220 : memref<32x768xf32, #tpu.memory_space<hbm>>) target_semaphore(%dma_start3A_218 : memref<!tpu.dma_semaphore, #tpu.memory_space<semaphore_mem>>)
        } else {
        }
      }
      %scan3A_121 = arith.constant 49 : i32
      %add3A_122 = arith.constant 3072 : i32
      %add3A_123 = arith.addi %mul3A_2, %add3A_122 : i32
      %dma_wait3A = arith.constant 0 : i32
      %dma_wait3A_124 = arith.constant 0 : i32
      %dma_wait3A_125 = arith.constant 0 : i32
      %dma_wait3A_126 = arith.constant 0 : i32
      %dma_wait3A_127 = tpu.memref_slice %arg6[%dma_wait3A, %dma_wait3A_125, %dma_wait3A_126] : memref<2x32x768xf32, #tpu.memory_space<vmem>> -> memref<1x32x768xf32, #tpu.memory_space<vmem>>
      %dma_wait3A_128 = tpu.memref_squeeze %dma_wait3A_127 : memref<1x32x768xf32, #tpu.memory_space<vmem>> -> memref<32x768xf32, #tpu.memory_space<vmem>>
      %dma_wait3A_129 = arith.constant 0 : i32
      %dma_wait3A_130 = tpu.memref_slice %arg4[%add3A_123, %dma_wait3A_129] : memref<50176x768xf32, #tpu.memory_space<hbm>> -> memref<32x768xf32, #tpu.memory_space<hbm>>
      %dma_wait3A_131 = tpu.memref_slice %arg9[%dma_wait3A_124] : memref<2x!tpu.dma_semaphore, #tpu.memory_space<semaphore_mem>> -> memref<1x!tpu.dma_semaphore, #tpu.memory_space<semaphore_mem>>
      %dma_wait3A_132 = tpu.memref_squeeze %dma_wait3A_131 : memref<1x!tpu.dma_semaphore, #tpu.memory_space<semaphore_mem>> -> memref<!tpu.dma_semaphore, #tpu.memory_space<semaphore_mem>>
      %dma_wait3A_133 = arith.constant 0 : i32
      %dma_wait3A_134 = tpu.memref_slice %arg4[%add3A_123, %dma_wait3A_133] : memref<50176x768xf32, #tpu.memory_space<hbm>> -> memref<32x768xf32, #tpu.memory_space<hbm>>
      %dma_wait3A_135 = arith.constant 0 : i32
      %dma_wait3A_136 = arith.constant 0 : i32
      %dma_wait3A_137 = tpu.memref_slice %arg6[%dma_wait3A, %dma_wait3A_135, %dma_wait3A_136] : memref<2x32x768xf32, #tpu.memory_space<vmem>> -> memref<1x32x768xf32, #tpu.memory_space<vmem>>
      %dma_wait3A_138 = tpu.memref_squeeze %dma_wait3A_137 : memref<1x32x768xf32, #tpu.memory_space<vmem>> -> memref<32x768xf32, #tpu.memory_space<vmem>>
      tpu.wait_dma2 semaphore(%dma_wait3A_132 : memref<!tpu.dma_semaphore, #tpu.memory_space<semaphore_mem>>) src(%dma_wait3A_138 : memref<32x768xf32, #tpu.memory_space<vmem>>) dst(%dma_wait3A_134 : memref<32x768xf32, #tpu.memory_space<hbm>>)
      %add3A_139 = arith.constant 3104 : i32
      %add3A_140 = arith.addi %mul3A_2, %add3A_139 : i32
      %dma_wait3A_141 = arith.constant 1 : i32
      %dma_wait3A_142 = arith.constant 1 : i32
      %dma_wait3A_143 = arith.constant 0 : i32
      %dma_wait3A_144 = arith.constant 0 : i32
      %dma_wait3A_145 = tpu.memref_slice %arg6[%dma_wait3A_141, %dma_wait3A_143, %dma_wait3A_144] : memref<2x32x768xf32, #tpu.memory_space<vmem>> -> memref<1x32x768xf32, #tpu.memory_space<vmem>>
      %dma_wait3A_146 = tpu.memref_squeeze %dma_wait3A_145 : memref<1x32x768xf32, #tpu.memory_space<vmem>> -> memref<32x768xf32, #tpu.memory_space<vmem>>
      %dma_wait3A_147 = arith.constant 0 : i32
      %dma_wait3A_148 = tpu.memref_slice %arg4[%add3A_140, %dma_wait3A_147] : memref<50176x768xf32, #tpu.memory_space<hbm>> -> memref<32x768xf32, #tpu.memory_space<hbm>>
      %dma_wait3A_149 = tpu.memref_slice %arg9[%dma_wait3A_142] : memref<2x!tpu.dma_semaphore, #tpu.memory_space<semaphore_mem>> -> memref<1x!tpu.dma_semaphore, #tpu.memory_space<semaphore_mem>>
      %dma_wait3A_150 = tpu.memref_squeeze %dma_wait3A_149 : memref<1x!tpu.dma_semaphore, #tpu.memory_space<semaphore_mem>> -> memref<!tpu.dma_semaphore, #tpu.memory_space<semaphore_mem>>
      %dma_wait3A_151 = arith.constant 0 : i32
      %dma_wait3A_152 = tpu.memref_slice %arg4[%add3A_140, %dma_wait3A_151] : memref<50176x768xf32, #tpu.memory_space<hbm>> -> memref<32x768xf32, #tpu.memory_space<hbm>>
      %dma_wait3A_153 = arith.constant 0 : i32
      %dma_wait3A_154 = arith.constant 0 : i32
      %dma_wait3A_155 = tpu.memref_slice %arg6[%dma_wait3A_141, %dma_wait3A_153, %dma_wait3A_154] : memref<2x32x768xf32, #tpu.memory_space<vmem>> -> memref<1x32x768xf32, #tpu.memory_space<vmem>>
      %dma_wait3A_156 = tpu.memref_squeeze %dma_wait3A_155 : memref<1x32x768xf32, #tpu.memory_space<vmem>> -> memref<32x768xf32, #tpu.memory_space<vmem>>
      tpu.wait_dma2 semaphore(%dma_wait3A_150 : memref<!tpu.dma_semaphore, #tpu.memory_space<semaphore_mem>>) src(%dma_wait3A_156 : memref<32x768xf32, #tpu.memory_space<vmem>>) dst(%dma_wait3A_152 : memref<32x768xf32, #tpu.memory_space<hbm>>)
    } else {
    }
    return
  }
}

</mosaic_0001>

<sc_bundles>
// kernel: _sc_permute.3.cloned.1.call-start
scs
__scs_entry_jumppad:
0x0: {  	(pc) =	sbr.rel $0x88, $3  }
0x1: {  	(tag) =	ssettag $0x0;
	lr =	simm.s32 $0x1  }
0x2: {  	[smem:$0x3F9F] =	sst lr;
	_ =	strace $0xD0000000  }
0x3: {  	_ = 	snop  }
0x4: {  	_ = 	snop  }
0x5: {  	_ = 	snop  }
0x6: {  	_ = 	snop  }
0x7: {  	_ = 	snop  }
__scs_overlays_trampoline_lowered:
0x8: {  	[smem:$0x3FAE] =	sst s0  }
0x9: {  	[smem:$0x3FAF] =	sst s1  }
0xa: {  	[smem:$0x3FB0] =	sst s2  }
0xb: {  	[smem:$0x3FB1] =	sst s3  }
0xc: {  	[smem:$0x3FB2] =	sst s4  }
0xd: {  	[smem:$0x3FB3] =	sst s5  }
0xe: {  	[smem:$0x3FB4] =	sst s6  }
0xf: {  	[smem:$0x3FB5] =	sst s7  }
0x10: {  	[smem:$0x3FB6] =	sst s8  }
0x11: {  	[smem:$0x3FB7] =	sst s9;
	s0 =	simm.s32 @!p0 $0x0  }
0x12: {  	s1 =	sld [smem:$0x3F9D];
	s0 =	simm.s32 @p0 $0x1  }
0x13: {  	[smem:$0x3FB8] =	sst s0;
	s0 =	simm.s32 @!p1 $0x0  }
0x14: {  	s2 =	sld [smem:$0x3F9C];
	s0 =	simm.s32 @p1 $0x1  }
0x15: {  	[smem:$0x3FB9] =	sst s0;
	s0 =	simm.s32 @!p2 $0x0  }
0x16: {  	s3 =	sld [smem:$0x3FDB];
	s0 =	simm.s32 @p2 $0x1  }
0x17: {  	s4 =	simm.s32 $0x1BF5;
	[smem:$0x3FBB] =	sst s0  }
0x18: {  	s0 =	sld [smem:$0x3F9E];
	_ =	swait.ge [sflag:s4], $0x0  }
0x19: {  	s7 =	sld [smem:$0x3F9F]  }
0x1a: {  	s8 =	sadd.s32 $0xFFFFE003, lr  }
0x1b: {  	s9 =	sadd.s32 $0xFFFFFEF7, lr;
	s5 =	simm.s32 $0xFFFFFFFF;
	p2 =	slt.u32 s8, $0xFFFFF086  }
0x1c: {  	p1 =	slt.u32 s9, $0xF7A;
	s5 =	simm.s32 @!p2 $0x0  }
0x1d: {  	s5 =	simm.s32 @p1 $0x1;
	p0 =	seq.s32 s7, s2  }
0x1e: {  	s7 =	smul.u32 @!p0 $0xF7A, s2;
	p2 =	seq.s32 @!p0 s5, $0x0  }
0x1f: {  	s9 =	smul.u32 $0xF7A, s1;
	s8 =	simm.s32 @!p0 $0x1BF5;
	p2 =	por !p2, p0  }
0x20: {  	[sflag:s8] =	ssyncset.s32 @!p0 $0xFFFFF086;
	s6 =	sadd.s32 @!p0 s3, s7;
	s7 =	simm.s32 @!p0 $0x108  }
0x21: {  	s3 =	sadd.s32 s3, s9;
	s6 =	sadd.s32 @!p0 $0x88, s6;
	s7 =	simm.s32 @p2 $0x1082  }
0x22: {  	[simem:s7], [sflag:s8] =	dma.local @!p0 [hbm:s6], $0xF7A  }
0x23: {  	s9 =	sor.u32 $0xD0000000, s2;
	s6 =	simm.s32 $0x108;
	_ =	swait.ge @!p0 [sflag:s8], $0x0  }
0x24: {  	s3 =	sadd.s32 $0x88, s3;
	s6 =	simm.s32 @!p1 $0x1082;
	[sflag:s4] =	ssyncset.s32 $0xFFFFF086  }
0x25: {  	[simem:s6], [sflag:s4] =	dma.local [hbm:s3], $0xF7A  }
0x26: {  	[smem:$0x3F9F] =	sst s1;
	(tag) =	ssettag s2;
	_ =	strace s9  }
0x27: {  	s1 =	sld [smem:$0x3FAF]  }
0x28: {  	s2 =	sld [smem:$0x3FB0]  }
0x29: {  	s4 =	sld [smem:$0x3FB2]  }
0x2a: {  	p0 =	seq.s32 s5, $0x0;
	s5 =	sld [smem:$0x3FB3]  }
0x2b: {  	s6 =	sld [smem:$0x3FB4]  }
0x2c: {  	s7 =	sld [smem:$0x3FB5]  }
0x2d: {  	s3 =	simm.s32 $0x108;
	s8 =	sld [smem:$0x3FB6]  }
0x2e: {  	s3 =	simm.s32 @!p0 $0x1082;
	s9 =	sld [smem:$0x3FB7]  }
0x2f: {  	lr =	sadd.s32 s0, s3;
	s0 =	sld [smem:$0x3FAE]  }
0x30: {  	s3 =	sld [smem:$0x3FB1]  }
0x31: {  	[smem:$0x3FBA] =	sst s10  }
0x32: {  	s10 =	sld [smem:$0x3FB8];
	_ =	sdelay $0x3  }
0x33: {  	p0 =	seq.s32 s10, $0x1;
	s10 =	sld [smem:$0x3FBA];
	_ =	sdelay $0x3  }
0x34: {  	[smem:$0x3FBA] =	sst s10  }
0x35: {  	s10 =	sld [smem:$0x3FB9];
	_ =	sdelay $0x3  }
0x36: {  	p1 =	seq.s32 s10, $0x1;
	s10 =	sld [smem:$0x3FBA];
	_ =	sdelay $0x3  }
0x37: {  	[smem:$0x3FBA] =	sst s10  }
0x38: {  	s10 =	sld [smem:$0x3FBB]  }
0x39: {  	_ = 	snop;
	(pc) =	sbr.ind lr, $3  }
0x3a: {  	_ = 	snop  }
0x3b: {  	_ = 	snop  }
0x3c: {  	p2 =	seq.s32 s10, $0x1;
	s10 =	sld [smem:$0x3FBA]  }
0x3d: {  	_ =	shalt  }
0x3e: {  	_ =	shalt  }
0x3f: {  	_ =	shalt  }
0x40: {  	_ =	shalt  }
0x41: {  	_ =	shalt  }
0x42: {  	_ =	shalt  }
0x43: {  	_ =	shalt  }
0x44: {  	_ =	shalt  }
0x45: {  	_ =	shalt  }
0x46: {  	_ =	shalt  }
0x47: {  	_ =	shalt  }
0x48: {  	_ =	shalt  }
0x49: {  	_ =	shalt  }
0x4a: {  	_ =	shalt  }
0x4b: {  	_ =	shalt  }
0x4c: {  	_ =	shalt  }
0x4d: {  	_ =	shalt  }
0x4e: {  	_ =	shalt  }
0x4f: {  	_ =	shalt  }
0x50: {  	_ =	shalt  }
0x51: {  	_ =	shalt  }
0x52: {  	_ =	shalt  }
0x53: {  	_ =	shalt  }
0x54: {  	_ =	shalt  }
0x55: {  	_ =	shalt  }
0x56: {  	_ =	shalt  }
0x57: {  	_ =	shalt  }
0x58: {  	_ =	shalt  }
0x59: {  	_ =	shalt  }
0x5a: {  	_ =	shalt  }
0x5b: {  	_ =	shalt  }
0x5c: {  	_ =	shalt  }
0x5d: {  	_ =	shalt  }
0x5e: {  	_ =	shalt  }
0x5f: {  	_ =	shalt  }
0x60: {  	_ =	shalt  }
0x61: {  	_ =	shalt  }
0x62: {  	_ =	shalt  }
0x63: {  	_ =	shalt  }
0x64: {  	_ =	shalt  }
0x65: {  	_ =	shalt  }
0x66: {  	_ =	shalt  }
0x67: {  	_ =	shalt  }
0x68: {  	_ =	shalt  }
0x69: {  	_ =	shalt  }
0x6a: {  	_ =	shalt  }
0x6b: {  	_ =	shalt  }
0x6c: {  	_ =	shalt  }
0x6d: {  	_ =	shalt  }
0x6e: {  	_ =	shalt  }
0x6f: {  	_ =	shalt  }
0x70: {  	_ =	shalt  }
0x71: {  	_ =	shalt  }
0x72: {  	_ =	shalt  }
0x73: {  	_ =	shalt  }
0x74: {  	_ =	shalt  }
0x75: {  	_ =	shalt  }
0x76: {  	_ =	shalt  }
0x77: {  	_ =	shalt  }
0x78: {  	_ =	shalt  }
0x79: {  	_ =	shalt  }
0x7a: {  	_ =	shalt  }
0x7b: {  	_ =	shalt  }
0x7c: {  	_ =	shalt  }
0x7d: {  	_ =	shalt  }
0x7e: {  	_ =	shalt  }
0x7f: {  	_ =	shalt  }
0x80: {  	_ =	shalt  }
0x81: {  	_ =	shalt  }
0x82: {  	_ =	shalt  }
0x83: {  	_ =	shalt  }
0x84: {  	_ =	shalt  }
0x85: {  	_ =	shalt  }
0x86: {  	_ =	shalt  }
0x87: {  	_ =	shalt  }
.Lfunc_end0:
.L_simem_size_0:
called_computation_lowered:
.L_overlay_start_0:
0x88: {  	s2 =	sld [smem:$0x3FD9]  }
0x89: {  	s3 =	sld [smem:$0x3FFE];
	_ =	sdelay $0x1  }
0x8a: {  	s1 =	srdreg.scid  }
0x8b: {  	s0 =	sand.u32 $0x1, s1  }
0x8c: {  	s18 =	sshll.u32 s0, $0xA;
	s2 =	sadd.s32 s3, s2  }
0x8d: {  	s2 =	sadd.s32 s2, s18  }
0x8e: {  	[smem:$0x3FC6] =	sst s2  }
0x8f: {  	_ = 	snop  }
0x90: {  	s2 =	sld [smem:$0x3FC9]  }
0x91: {  	s19 =	sld [smem:$0x3FC8]  }
0x92: {  	s4 =	sld [smem:$0x3FD0];
	(tm) =	ssettm $0x1  }
0x93: {  	s5 =	sld [smem:$0x3FFB];
	_ =	sdelay $0x3  }
0x94: {  	_ =	strace s5  }
0x95: {  	s5 =	sld [smem:$0x3FFC];
	_ =	sdelay $0x3  }
0x96: {  	_ =	strace s5  }
0x97: {  	s5 =	sld [smem:$0x3FFD];
	_ =	sdelay $0x3  }
0x98: {  	_ =	strace s5  }
0x99: {  	_ =	strace $0x8FFFFFFF  }
0x9a: {  	s20 =	sld [smem:$0x3FDB];
	_ =	sdelay $0x1  }
0x9b: {  	s6 =	simm.s32 $_scs_section_size  }
0x9c: {  	s7 =	simm.s32 $_size__tile_overlayer_lowered;
	s8 =	simm.s32 $_tile_overlayer_lowered  }
0x9d: {  	s23 =	simm.s32 $0x1BFF;
	s22 =	sshll.u32 s8, $0x1;
	s5 =	sadd.s32 s6, s20  }
0x9e: {  	s9 =	simm.s32 $0x0;
	s21 =	sshll.u32 s7, $0x1;
	s7 =	sadd.s32 s22, s5  }
0x9f: {  	[timem:s9], [sflag:s23] =	dma.local [hbm:s7], s21  }
0xa0: {  	_ =	swait.ge [sflag:s23], s21  }
0xa1: {  	s6 =	ssub.s32 $0x0, s21;
	[sflag:s23] =	ssyncset.done $0x0  }
0xa2: {  	[sflag:s23] =	ssyncadd.s32 s6;
	_ =	sdelay $0x1  }
0xa3: {  	s24 =	simm.s32 $0x1B8B  }
0xa4: {  	_ =	swait.ge [sflag:s24], $0x1  }
0xa5: {  	[sflag:s24] =	ssyncset.done $0x0  }
0xa6: {  	s25 =	simm.s32 $0x1B8E;
	[sflag:s24] =	ssyncadd.s32 $0xFFFFFFFF  }
0xa7: {  	s26 =	simm.s32 $execute0_lowered;
	[smem:$0x3FD2] =	sst s25  }
0xa8: {  	s6 =	sshll.u32 s26, $0x1;
	_ =	strace $0x80000046;
	[dreg:$0x1] =	wrdreg $0xFFFFFFFF  }
0xa9: {  	s28 =	simm.s32 $_size_execute0_lowered;
	s5 =	sadd.s32 s5, s6;
	[dreg:$0x0] =	wrdreg $0x0  }
0xaa: {  	s6 =	sshll.u32 s28, $0x1;
	[dreg:$0x2] =	wrdreg s5  }
0xab: {  	[dreg:$0x3] =	wrdreg s6  }
0xac: {  	[dreg:$0x4] =	wrdreg $0xC0  }
0xad: {  	_ =	task [dreg:s9], $0x5FFFF  }
0xae: {  	[dreg:$0x1] =	wrdreg $0xFFFFFFFF  }
0xaf: {  	[dreg:$0x0] =	wrdreg $0x60  }
0xb0: {  	[dreg:$0x2] =	wrdreg s2  }
0xb1: {  	[dreg:$0x3] =	wrdreg s19  }
0xb2: {  	[dreg:$0x4] =	wrdreg s4  }
0xb3: {  	[dreg:$0x5] =	wrdreg $0x9  }
0xb4: {  	_ =	task.clear_ibuf [dreg:s9], $0x6FFFF;
	_ =	strace $0x90000046  }
0xb5: {  	s29 =	simm.s32 $0x9;
	_ =	strace $0x80000048  }
0xb6: {  	_ =	swait.ge [sflag:s29], $0x1  }
0xb7: {  	[sflag:s29] =	ssyncadd.s32 $0xFFFFFFFF  }
0xb8: {  	_ =	strace $0x90000048  }
0xb9: {  	_ =	sfence  }
0xba: {  	s30 =	sld [smem:$0x0];
	_ =	sdelay $0x2  }
0xbb: {  	s31 =	sshll.u32 s1, $0xD;
	s1 =	sshrl.u32 s1, $0x2  }
0xbc: {  	s3 =	sand.u32 $0x4000, s31;
	s1 =	sadd.s32 s1, s30  }
0xbd: {  	s0 =	sor.u32 s3, s0;
	s1 =	sshll.u32 s1, $0x11  }
0xbe: {  	s0 =	sor.u32 s1, s0  }
0xbf: {  	s0 =	sadd.s32 $0x8F2B, s0  }
0xc0: {  	[sflag:s0] =	ssyncadd.remote.s32 $0x1  }
0xc1: {  	_ =	sfence.sel $0xFFFF  }
0xc2: {  	[dreg:$0x0] =	wrdreg $0xFFFFFFFF;
	(pc) =	sbr.abs _section_cstart, $3  }
0xc3: {  	[dreg:$0x1] =	wrdreg $0xFFFFFFFF  }
0xc4: {  	_ =	task.clear_ibuf [dreg:s9], $0x2FFFF;
	_ =	strace $0x9FFFFFFF  }
0xc5: {  	(tm) =	ssettm $0x7FFFFFFF  }
tec
execute0_lowered:
.L_overlay_start_1:
0x0: {  	(tag) =	ssettag $0x1  }
0x1: {  	s16 =	rddreg [dreg:$0x0]  }
0x2: {  	s1 =	srdreg.scid;
	s2 =	rddreg [dreg:$0x1]  }
0x3: {  	s0 =	stileid.u32;
	s3 =	rddreg [dreg:$0x2];
	s4 =	simm.s32 $0x0  }
0x4: {  	s19 =	simm.s32 $0x300;
	s20 =	simm.s32 $0x1;
	s21 =	simm.s32 $0x6300  }
0x5: {  	s22 =	simm.s32 $0x2;
	s23 =	simm.s32 $0x3;
	s24 =	simm.s32 $0x4  }
0x6: {  	s5 =	sand.u32 $0x1, s1;
	s30 =	sshll.u32 s0, $0x1;
	s8 =	smul.u32 $0x1880, s0  }
0x7: {  	s25 =	simm.s32 $0x0;
	s1 =	sor.u32 s5, s30;
	s11 =	smul.u32 $0xC40, s5  }
0x8: {  	[smem:$0x7FF] =	sst s4;
	s31 =	ssub.s32 $0x2, s5;
	s6 =	smul.u32 $0xC40, s1  }
0x9: {  	p0 =	sgt.u32 s0, $0x7;
	s1 =	rddreg [dreg:$0x3];
	s9 =	sshrl.u32 s31, $0x1  }
0xa: {  	s17 =	sadd.s32 s11, s8;
	s7 =	sshrl.u32 s6, $0x3;
	s6 =	sor.u32 $0x20, s6  }
0xb: {  	s11 =	sadd.s32 $0x80, s17;
	s10 =	smul.u32 $0x300, s7;
	s6 =	sshrl.u32 s6, $0x3  }
0xc: {  	s13 =	sadd.s32 $0x60, s17;
	s11 =	sshrl.u32 s11, $0x3;
	s12 =	smul.u32 $0x300, s6  }
0xd: {  	_ =	strace $0x80000047;
	s13 =	sshrl.u32 s13, $0x3;
	s15 =	smul.u32 $0x300, s11  }
0xe: {  	s17 =	sadd.s32 $0x40, s17;
	s7 =	ssub.s32 s31, s9;
	s18 =	smul.u32 $0x300, s13  }
.Ltmp0:
0xf: {  	s6 =	smax.u32 s7, $0x1;
	s5 =	sadd.s32 s16, s10;
	(pc) =	sbr.rel .LBB2_1-.Ltmp0, $4  }
0x10: {  	s8 =	sadd.s32 s3, s10;
	s14 =	sadd.s32 $0x48C00, s10;
	s7 =	sadd.s32 s16, s12  }
0x11: {  	s9 =	sadd.s32 $0x1800, s5;
	s10 =	sadd.s32 s3, s12;
	s11 =	sadd.s32 s16, s14  }
0x12: {  	s12 =	sadd.s32 $0x48000, s8;
	s13 =	sadd.s32 s3, s14;
	s14 =	sadd.s32 s15, s16  }
0x13: {  	s15 =	sadd.s32 s18, s3;
	s16 =	sadd.s32 s18, s16;
	s18 =	simm.s32 $0x5  }
.LBB2_4:
0x14: {  	[hbm4b:s29+s4] =	stream.linear.scatter [tilespmem:s21], [sflag:$0x4], $0x6000, $0x38;
	[tilespmem:$0xC300] =	vst v63  }
0x15: {  	_ =	swait.ge [sflag:s20], $0x6000  }
0x16: {  	[sflag:s20] =	ssyncset.done $0x0  }
0x17: {  	[sflag:s20] =	ssyncadd.s32 $0xFFFFA000  }
0x18: {  	[tilespmem:s21], [sflag:$0x2] =	stream.linear.gather [hbm4b:s11+s4], $0x6000, $0x38;
	[tilespmem:$0xC300] =	vst v63  }
0x19: {  	_ =	swait.ge [sflag:s23], $0x6000  }
0x1a: {  	[sflag:s23] =	ssyncset.done $0x0  }
0x1b: {  	[sflag:s23] =	ssyncadd.s32 $0xFFFFA000  }
0x1c: {  	[hbm4b:s12+s4] =	stream.linear.scatter [tilespmem:s19], [sflag:$0x3], $0x6000, $0x38;
	[tilespmem:$0xC300] =	vst v63  }
0x1d: {  	_ =	swait.ge [sflag:s22], $0x6000  }
0x1e: {  	[sflag:s22] =	ssyncset.done $0x0  }
0x1f: {  	[sflag:s22] =	ssyncadd.s32 $0xFFFFA000  }
0x20: {  	_ =	swait.ge [sflag:s24], $0x6000  }
0x21: {  	[sflag:s24] =	ssyncset.done $0x0  }
0x22: {  	[sflag:s24] =	ssyncadd.s32 $0xFFFFA000  }
0x23: {  	[hbm4b:s13+s4] =	stream.linear.scatter [tilespmem:s21], [sflag:$0x4], $0x6000, $0x38;
	[tilespmem:$0xC300] =	vst v63  }
0x24: {  	_ =	swait.ge [sflag:s23], $0x6000  }
0x25: {  	[sflag:s23] =	ssyncset.done $0x0  }
0x26: {  	[sflag:s23] =	ssyncadd.s32 $0xFFFFA000  }
0x27: {  	_ =	swait.ge [sflag:s24], $0x6000  }
0x28: {  	[sflag:s24] =	ssyncset.done $0x0  }
0x29: {  	[sflag:s24] =	ssyncadd.s32 $0xFFFFA000  }
.LBB2_5:
0x2a: {  	s25 =	sadd.s32 $0x1, s25  }
0x2b: {  	p1 =	sne.s32 s25, s6  }
.Ltmp1:
0x2c: {  	_ = 	snop;
	(pc) =	sbr.rel @!p1 .LBB2_6-.Ltmp1, $1  }
0x2d: {  	_ =	sdelay $0x3  }
.LBB2_1:
.Ltmp2:
0x2e: {  	(pc) =	sbr.rel @p0 .LBB2_5-.Ltmp2, $4  }
0x2f: {  	[tilespmem:s4], [sflag:$0x5] =	stream.linear.gather [hbm4b:s2+s4], $0x300, $0x38;
	[tilespmem:$0xC300] =	vst v63  }
0x30: {  	_ =	swait.ge [sflag:s18], $0x300  }
0x31: {  	[sflag:s18] =	ssyncset.done $0x0  }
0x32: {  	[sflag:s18] =	ssyncadd.s32 $0xFFFFFD00  }
0x33: {  	s26 =	simm.s32 $0x0  }
0x34: {  	[tilespmem:s19], [sflag:$0x1] =	stream.linear.gather [hbm4b:s5+s26], $0x6000, $0x38;
	[tilespmem:$0xC300] =	vst v63  }
0x35: {  	_ =	swait.ge [sflag:s20], $0x6000  }
0x36: {  	[sflag:s20] =	ssyncset.done $0x0  }
0x37: {  	[sflag:s20] =	ssyncadd.s32 $0xFFFFA000  }
0x38: {  	[tilespmem:s21], [sflag:$0x2] =	stream.linear.gather [hbm4b:s7+s26], $0x6000, $0x38;
	[tilespmem:$0xC300] =	vst v63  }
0x39: {  	_ = 	snop  }
0x3a: {  	[hbm4b:s8+s26] =	stream.linear.scatter [tilespmem:s19], [sflag:$0x3], $0x6000, $0x38;
	[tilespmem:$0xC300] =	vst v63  }
0x3b: {  	_ =	swait.ge [sflag:s22], $0x6000  }
0x3c: {  	[sflag:s22] =	ssyncset.done $0x0  }
0x3d: {  	[sflag:s22] =	ssyncadd.s32 $0xFFFFA000  }
0x3e: {  	[tilespmem:s19], [sflag:$0x1] =	stream.linear.gather [hbm4b:s9+s26], $0x6000, $0x38;
	[tilespmem:$0xC300] =	vst v63  }
0x3f: {  	_ = 	snop  }
0x40: {  	[hbm4b:s10+s26] =	stream.linear.scatter [tilespmem:s21], [sflag:$0x4], $0x6000, $0x38;
	[tilespmem:$0xC300] =	vst v63  }
0x41: {  	_ =	swait.ge [sflag:s20], $0x6000  }
0x42: {  	[sflag:s20] =	ssyncset.done $0x0  }
0x43: {  	s31 =	sadd.s32 $0x0, s16;
	s28 =	sshrl.u32 s17, $0x3;
	[sflag:s20] =	ssyncadd.s32 $0xFFFFA000  }
0x44: {  	[tilespmem:s21], [sflag:$0x2] =	stream.linear.gather [hbm4b:s31+s4], $0x6000, $0x38;
	[tilespmem:$0xC300] =	vst v63  }
0x45: {  	s30 =	smul.u32 $0x300, s28;
	_ =	swait.ge [sflag:s23], $0x6000  }
0x46: {  	[sflag:s23] =	ssyncset.done $0x0  }
0x47: {  	s26 =	sadd.s32 s3, s30;
	[sflag:s23] =	ssyncadd.s32 $0xFFFFA000  }
0x48: {  	[hbm4b:s26+s4] =	stream.linear.scatter [tilespmem:s19], [sflag:$0x3], $0x6000, $0x38;
	[tilespmem:$0xC300] =	vst v63  }
0x49: {  	_ =	swait.ge [sflag:s22], $0x6000  }
0x4a: {  	[sflag:s22] =	ssyncset.done $0x0  }
0x4b: {  	s31 =	sadd.s32 $0x0, s14;
	[sflag:s22] =	ssyncadd.s32 $0xFFFFA000  }
0x4c: {  	[tilespmem:s19], [sflag:$0x1] =	stream.linear.gather [hbm4b:s31+s4], $0x6000, $0x38;
	[tilespmem:$0xC300] =	vst v63  }
0x4d: {  	_ =	swait.ge [sflag:s24], $0x6000  }
0x4e: {  	s29 =	sadd.s32 $0x0, s15;
	[sflag:s24] =	ssyncset.done $0x0  }
0x4f: {  	s28 =	sadd.s32 $0x40, s17;
	s26 =	simm.s32 $0x1800;
	[sflag:s24] =	ssyncadd.s32 $0xFFFFA000  }
.LBB2_3:
0x50: {  	[hbm4b:s29+s4] =	stream.linear.scatter [tilespmem:s21], [sflag:$0x4], $0x6000, $0x38;
	[tilespmem:$0xC300] =	vst v63  }
0x51: {  	s29 =	smov.u32 s26  }
0x52: {  	p1 =	sne.s32 s26, $0x45000;
	s26 =	sadd.s32 $0x1800, s26;
	_ =	swait.ge [sflag:s20], $0x6000  }
0x53: {  	[sflag:s20] =	ssyncset.done $0x0  }
0x54: {  	s31 =	sshrl.u32 s28, $0x3;
	s30 =	sadd.s32 s29, s16;
	[sflag:s20] =	ssyncadd.s32 $0xFFFFA000  }
0x55: {  	[tilespmem:s21], [sflag:$0x2] =	stream.linear.gather [hbm4b:s30+s4], $0x6000, $0x38;
	[tilespmem:$0xC300] =	vst v63  }
0x56: {  	s30 =	smul.u32 $0x300, s31;
	_ =	swait.ge [sflag:s23], $0x6000  }
0x57: {  	[sflag:s23] =	ssyncset.done $0x0  }
0x58: {  	s30 =	sadd.s32 s3, s30;
	[sflag:s23] =	ssyncadd.s32 $0xFFFFA000  }
0x59: {  	[hbm4b:s30+s4] =	stream.linear.scatter [tilespmem:s19], [sflag:$0x3], $0x6000, $0x38;
	[tilespmem:$0xC300] =	vst v63  }
0x5a: {  	_ =	swait.ge [sflag:s22], $0x6000  }
0x5b: {  	[sflag:s22] =	ssyncset.done $0x0  }
.Ltmp3:
0x5c: {  	s30 =	sadd.s32 s29, s14;
	[sflag:s22] =	ssyncadd.s32 $0xFFFFA000;
	(pc) =	sbr.rel @p1 .LBB2_3-.Ltmp3, $4  }
0x5d: {  	[tilespmem:s19], [sflag:$0x1] =	stream.linear.gather [hbm4b:s30+s4], $0x6000, $0x38;
	[tilespmem:$0xC300] =	vst v63  }
0x5e: {  	_ =	swait.ge [sflag:s24], $0x6000  }
0x5f: {  	[sflag:s24] =	ssyncset.done $0x0  }
0x60: {  	s28 =	sadd.s32 $0x40, s28;
	s29 =	sadd.s32 s29, s15;
	[sflag:s24] =	ssyncadd.s32 $0xFFFFA000  }
.Ltmp4:
0x61: {  	_ = 	snop;
	(pc) =	sbr.rel .LBB2_4-.Ltmp4, $1  }
0x62: {  	_ =	sdelay $0x3  }
.LBB2_6:
0x63: {  	_ =	sfence.sel $0x180000  }
0x64: {  	[bflag:$0x0] =	sbarrier.arrive $0xFFFF  }
0x65: {  	p0 =	sne.s32 s0, $0x0;
	_ =	strace $0x90000047  }
0x66: {  	s0 =	sadd.s32 @!p0 $0x100000, s1;
	[bflag:$0x2] =	sbarrier.arrive $0xFFFF  }
0x67: {  	[sflag:s0] =	ssyncadd.tile.s32 @!p0 $0x1;
	_ =	shalt  }
.Lfunc_end2:
_tile_overlayer_lowered:
.L_overlay_start_2:
0x68: {  	(tag) =	ssettag $0x2  }
0x69: {  	s0 =	rddreg [dreg:$0x0];
	s2 =	stileid.u32  }
0x6a: {  	s1 =	rddreg [dreg:$0x1];
	p0 =	sne.s32 s2, $0x0  }
0x6b: {  	s3 =	rddreg [dreg:$0x2];
	[bflag:$0x3] =	sbarrier.arrive $0xFFFF;
	s2 =	simm.s32 @!p0 $0x1C05  }
0x6c: {  	[timem:s3], [sflag:s2] =	dma.local @!p0 [hbm:s0], s1  }
0x6d: {  	s0 =	simm.s32 @!p0 $0x5  }
0x6e: {  	_ =	swait.ge @!p0 [sflag:s0], s1  }
0x6f: {  	s1 =	ssub.s32 @!p0 $0x0, s1;
	[sflag:s0] =	ssyncset.done @!p0 $0x0  }
0x70: {  	[sflag:s0] =	ssyncadd.s32 @!p0 s1  }
0x71: {  	[bflag:$0x3] =	sbarrier.arrive $0xFFFF  }
0x72: {  	_ =	shalt  }

</sc_bundles>
